<compile_context>
chip_gen: v7x
topology: tpu7x:2x2x1
jax: 0.10.2.dev20260603
libtpu: 0.0.44.dev20260713+nightly
codegen_flags: <defaults>
</compile_context>

<pallas_src>
import functools

import numpy as np
import jax
import jax.numpy as jnp
from jax import lax
from jax.experimental import pallas as pl
from jax.experimental.pallas import tpu as pltpu
from jax.experimental.pallas import tpu_sc as plsc

N = 1024
D = 128
H = 64
H2 = 32
TILE = 128
NB = N // TILE
M = N * (N - 1) // 2

NUM_WORKERS = 32
CHUNK = M // NUM_WORKERS


def _prolog_body(nf_ref, wt_ref, bt_ref, w1a_ref, w1b_ref, b1_ref,
                 gamma_ref, w2_ref, ac_ref, bct_ref, ag_ref, bgt_ref,
                 sa_ref, sbt_ref, w2b_ref):
    h = jnp.maximum(
        jnp.dot(nf_ref[...], wt_ref[...].T,
                preferred_element_type=jnp.float32) + bt_ref[...], 0.0)
    a = jnp.dot(h, w1a_ref[...].T,
                preferred_element_type=jnp.float32) + b1_ref[...]
    b = jnp.dot(h, w1b_ref[...].T, preferred_element_type=jnp.float32)
    ac = a - jnp.mean(a, axis=1, keepdims=True)
    bc = b - jnp.mean(b, axis=1, keepdims=True)
    ac_ref[...] = ac
    bct_ref[...] = bc.T
    ag_ref[...] = ac * gamma_ref[...]
    bgt_ref[...] = (bc * gamma_ref[...]).T
    sa_ref[...] = jnp.mean(ac * ac, axis=1, keepdims=True)
    sbt_ref[...] = jnp.mean(bc * bc, axis=1).reshape(1, N)
    w2b_ref[...] = jnp.broadcast_to(w2_ref[...][None], (TILE, H2, H))


def _pair_body(ac_ref, bct_ref, ag_ref, bgt_ref, sa_ref, sbt_ref, beta_ref,
               w2b_ref, b2_ref, w3_ref, b3_ref, out_ref, stash_ref):
    bi = pl.program_id(0)
    bj = pl.program_id(1)

    @pl.when(bi <= bj)
    def _compute():
        cross = jnp.dot(ac_ref[...], bct_ref[...],
                        preferred_element_type=jnp.float32)
        var = sa_ref[...] + sbt_ref[...] + (2.0 / H) * cross
        s = lax.rsqrt(var + 1e-5)
        q = ag_ref[...][:, :, None] + bgt_ref[...][None, :, :]
        zn = q * s[:, None, :] + beta_ref[...][None, :, :]
        zr = jnp.maximum(zn, 0.0)
        z2 = lax.dot_general(w2b_ref[...], zr, (((2,), (1,)), ((0,), (0,))),
                             preferred_element_type=jnp.float32)
        z2 = jnp.maximum(z2 + b2_ref[...][None, :, :], 0.0)
        logits = jnp.sum(z2 * w3_ref[...][None, :, :], axis=1) \
            + b3_ref[0, 0]
        p = jax.nn.sigmoid(logits)
        gu = bi * TILE + lax.broadcasted_iota(jnp.int32, (TILE, TILE), 0)
        gv = bj * TILE + lax.broadcasted_iota(jnp.int32, (TILE, TILE), 1)
        tm = jnp.where(gu < gv, p, 0.0)
        slot = bi * NB - bi * (bi - 1) // 2 + (bj - bi)
        stash_ref[slot] = tm
        out_ref[...] = jnp.where(bi == bj, tm + tm.T, tm)

    @pl.when(bi > bj)
    def _mirror():
        slot = bj * NB - bj * (bj - 1) // 2 + (bi - bj)
        out_ref[...] = stash_ref[slot].T


def _compute_soft_adj(node_features, Wt, bt, W1, b1, gamma, beta,
                      W2, b2, W3, b3):
    w1a = W1[:, :H]
    w1b = W1[:, H:]
    nh = jax.ShapeDtypeStruct((N, H), jnp.float32)
    hn = jax.ShapeDtypeStruct((H, N), jnp.float32)
    ac, bct, ag, bgt, sa, sbt, w2b = pl.pallas_call(
        _prolog_body,
        out_shape=(nh, hn, nh, hn,
                   jax.ShapeDtypeStruct((N, 1), jnp.float32),
                   jax.ShapeDtypeStruct((1, N), jnp.float32),
                   jax.ShapeDtypeStruct((TILE, H2, H), jnp.float32)),
    )(node_features, Wt, bt.reshape(1, H), w1a, w1b, b1.reshape(1, H),
      gamma.reshape(1, H), W2)

    rmap = lambda i, j: (jnp.minimum(i, j), 0)
    cmap = lambda i, j: (0, jnp.maximum(i, j))
    full = lambda shape: pl.BlockSpec(shape, lambda i, j: (0, 0))
    soft_adj = pl.pallas_call(
        _pair_body,
        grid=(NB, NB),
        in_specs=[
            pl.BlockSpec((TILE, H), rmap),
            pl.BlockSpec((H, TILE), cmap),
            pl.BlockSpec((TILE, H), rmap),
            pl.BlockSpec((H, TILE), cmap),
            pl.BlockSpec((TILE, 1), rmap),
            pl.BlockSpec((1, TILE), cmap),
            full((H, 1)),
            pl.BlockSpec((TILE, H2, H), lambda i, j: (0, 0, 0)),
            full((H2, 1)),
            full((H2, 1)),
            full((1, 1)),
        ],
        out_specs=pl.BlockSpec((TILE, TILE), lambda i, j: (i, j)),
        out_shape=jax.ShapeDtypeStruct((N, N), jnp.float32),
        scratch_shapes=[
            pltpu.VMEM((NB * (NB + 1) // 2, TILE, TILE), jnp.float32)
        ],
    )(ac, bct, ag, bgt, sa, sbt, beta.reshape(H, 1), w2b,
      b2.reshape(H2, 1), W3.reshape(H2, 1), b3.reshape(1, 1))
    return soft_adj


ROWS_PER_TILE = N // NUM_WORKERS
ROWS_WORDS = ROWS_PER_TILE * N
SEG0 = 32240
TAIL = SEG0 % 1024


@functools.cache
def _compact_probs_kernel():
    mesh = plsc.VectorSubcoreMesh(core_axis_name="c", subcore_axis_name="s")

    @functools.partial(
        pl.kernel,
        out_type=jax.ShapeDtypeStruct((M,), jnp.float32),
        mesh=mesh,
        scratch_types=[
            pltpu.VMEM((ROWS_WORDS + N,), jnp.float32),
            pltpu.VMEM((SEG0 + N,), jnp.float32),
        ],
        compiler_params=pltpu.CompilerParams(needs_layout_passes=False),
    )
    def _compact_probs(padj_hbm, out_hbm, rows_v, cbuf_v):
        t = lax.axis_index("s") * 2 + lax.axis_index("c")
        row0 = t * ROWS_PER_TILE
        seg_base = 32752 * t - 512 * t * t
        lane = lax.iota(jnp.int32, 16)

        pltpu.sync_copy(padj_hbm.at[pl.ds(row0 * N, ROWS_WORDS)],
                        rows_v.at[pl.ds(0, ROWS_WORDS)])

        def copy_row(r, _):
            src0 = r * N + row0 + r + 1
            dst0 = r * (N - 1 - row0) - r * (r - 1) // 2

            def copy_chunk(k, _):
                off = k * 16
                vals = plsc.load_gather(rows_v, [src0 + off + lane])
                plsc.store_scatter(cbuf_v, [dst0 + off + lane], vals)
                return 0

            return lax.fori_loop(0, N // 16, copy_chunk, 0)

        lax.fori_loop(0, ROWS_PER_TILE, copy_row, 0)

        def copy_out(j, _):
            pltpu.sync_copy(cbuf_v.at[pl.ds(j * 1024, 1024)],
                            out_hbm.at[pl.ds(seg_base + j * 1024, 1024)])
            return 0

        q = NUM_WORKERS - 1 - t
        lax.fori_loop(0, q, copy_out, 0)
        pltpu.sync_copy(cbuf_v.at[pl.ds(q * 1024, TAIL)],
                        out_hbm.at[pl.ds(seg_base + q * 1024, TAIL)])

    return _compact_probs


def _pair_index_constant():
    ii, jj = np.triu_indices(N, k=1)
    return jnp.asarray(np.stack([ii, jj], axis=0)).astype(jnp.int64)


def kernel(node_features, Wt, bt, W1, b1, gamma, beta, W2, b2, W3, b3):
    soft_adj = _compute_soft_adj(node_features, Wt, bt, W1, b1, gamma,
                                 beta, W2, b2, W3, b3)
    probs = _compact_probs_kernel()(soft_adj.reshape(N * N))
    return (probs.reshape(M, 1), _pair_index_constant(), soft_adj)

# --- scband reference (transcript-rebuilt; emitter-appended) ---
"""Pipeline reference for scband-edge-predictor-69260642615902 (READ-ONLY COPY).

The authoritative reference and input builder live on the scoring server;
editing this copy changes nothing except your own understanding.
"""

import jax, jax.numpy as jnp
import numpy as np

N = 1024
D = 128
H = 64
H2 = max(H // 2, 4)

def setup_inputs(seed: int = 0) -> dict:
    key = jax.random.key(seed)
    ks = jax.random.split(key, 12)
    s = lambda fan_in: 1.0 / np.sqrt(fan_in)
    node_features = jax.random.normal(ks[0], (N, D), dtype=jnp.float32)
    Wt = jax.random.uniform(ks[1], (H, D), minval=-s(D), maxval=s(D), dtype=jnp.float32)
    bt = jax.random.uniform(ks[2], (H,), minval=-s(D), maxval=s(D), dtype=jnp.float32)
    W1 = jax.random.uniform(ks[3], (H, 2 * H), minval=-s(2 * H), maxval=s(2 * H), dtype=jnp.float32)
    b1 = jax.random.uniform(ks[4], (H,), minval=-s(2 * H), maxval=s(2 * H), dtype=jnp.float32)
    gamma = jnp.ones((H,), dtype=jnp.float32)
    beta = jnp.zeros((H,), dtype=jnp.float32)
    W2 = jax.random.uniform(ks[5], (H2, H), minval=-s(H), maxval=s(H), dtype=jnp.float32)
    b2 = jax.random.uniform(ks[6], (H2,), minval=-s(H), maxval=s(H), dtype=jnp.float32)
    W3 = jax.random.uniform(ks[7], (1, H2), minval=-s(H2), maxval=s(H2), dtype=jnp.float32)
    b3 = jax.random.uniform(ks[8], (1,), minval=-s(H2), maxval=s(H2), dtype=jnp.float32)
    return {"node_features": node_features, "Wt": Wt, "bt": bt, "W1": W1, "b1": b1,
            "gamma": gamma, "beta": beta, "W2": W2, "b2": b2, "W3": W3, "b3": b3}

def reference(node_features, Wt, bt, W1, b1, gamma, beta, W2, b2, W3, b3):
    n = node_features.shape[0]
    temperature = 1.0
    h = jax.nn.relu(node_features @ Wt.T + bt)
    idx_i, idx_j = jnp.triu_indices(n, k=1)
    pair_feats = jnp.concatenate([h[idx_i], h[idx_j]], axis=1)
    z = pair_feats @ W1.T + b1
    mu = jnp.mean(z, axis=-1, keepdims=True)
    var = jnp.var(z, axis=-1, keepdims=True)
    z = (z - mu) / jnp.sqrt(var + 1e-5) * gamma + beta
    z = jax.nn.relu(z)
    # dropout is identity in eval mode
    z = jax.nn.relu(z @ W2.T + b2)
    logits = z @ W3.T + b3
    probs = jax.nn.sigmoid(logits / max(1e-6, temperature))
    pair_index = jnp.stack([idx_i, idx_j], axis=0).astype(jnp.int64)
    p = jnp.squeeze(probs, axis=1)
    soft_adj = jnp.zeros((n, n), dtype=jnp.float32)
    soft_adj = soft_adj.at[idx_i, idx_j].set(p)
    soft_adj = soft_adj.at[idx_j, idx_i].set(p)
    return (probs, pair_index, soft_adj)

if __name__ == "__main__":
    import jax
    _d = setup_inputs()
    print(jax.jit(kernel)(*tuple(_d.values())))

</pallas_src>

<mosaic_0001>
#map = affine_map<(d0, d1) -> (0)>
module attributes {stable_mosaic.version = 14 : i64} {
  func.func @_compact_probs(%arg0: i32, %arg1: i32, %arg2: memref<1048576xf32, #tpu.memory_space<hbm>>, %arg3: memref<523776xf32, #tpu.memory_space<hbm>>, %arg4: memref<33792xf32, #tpu.memory_space<vmem>>, %arg5: memref<33264xf32, #tpu.memory_space<vmem>>) attributes {dimension_semantics = [#tpu.dimension_semantics<core_parallel>, #tpu.dimension_semantics<subcore_parallel>], iteration_bounds = array<i64: 2, 16>, scalar_prefetch = 0 : i64, scratch_operands = 2 : i64, tpu.core_type = #tpu.core_type<sc_vector_subcore>, window_params = [{transform_indices = #map}, {transform_indices = #map}]} {
    %mul3A = arith.constant 2 : i32
    %mul3A_0 = arith.muli %arg1, %mul3A : i32
    %add3A = arith.addi %mul3A_0, %arg0 : i32
    %mul3A_1 = arith.constant 32 : i32
    %mul3A_2 = arith.muli %add3A, %mul3A_1 : i32
    %mul3A_3 = arith.constant 32752 : i32
    %mul3A_4 = arith.muli %mul3A_3, %add3A : i32
    %mul3A_5 = arith.constant 512 : i32
    %mul3A_6 = arith.muli %mul3A_5, %add3A : i32
    %mul3A_7 = arith.muli %mul3A_6, %add3A : i32
    %sub3A = arith.subi %mul3A_4, %mul3A_7 : i32
    %iota3A = tpu.iota {dimensions = array<i32: 0>} : vector<16xi32>
    %mul3A_8 = arith.constant 1024 : i32
    %mul3A_9 = arith.muli %mul3A_2, %mul3A_8 : i32
    "tpu.region"() ({
      %run_scoped3A = tpu.sem_alloc : memref<!tpu.dma_semaphore, #tpu.memory_space<semaphore_mem>>
      %dma_start3A = arith.constant 0 : i32
      %dma_start3A_34 = tpu.memref_slice %arg4[%dma_start3A] : memref<33792xf32, #tpu.memory_space<vmem>> -> memref<32768xf32, #tpu.memory_space<vmem>>
      %dma_start3A_35 = tpu.memref_slice %arg2[%mul3A_9] : memref<1048576xf32, #tpu.memory_space<hbm>> -> memref<32768xf32, #tpu.memory_space<hbm>>
      %dma_start3A_36 = arith.constant 0 : i32
      %dma_start3A_37 = tpu.memref_slice %arg4[%dma_start3A_36] : memref<33792xf32, #tpu.memory_space<vmem>> -> memref<32768xf32, #tpu.memory_space<vmem>>
      %dma_start3A_38 = tpu.memref_slice %arg2[%mul3A_9] : memref<1048576xf32, #tpu.memory_space<hbm>> -> memref<32768xf32, #tpu.memory_space<hbm>>
      tpu.enqueue_dma source(%dma_start3A_38 : memref<32768xf32, #tpu.memory_space<hbm>>) target(%dma_start3A_37 : memref<32768xf32, #tpu.memory_space<vmem>>) target_semaphore(%run_scoped3A : memref<!tpu.dma_semaphore, #tpu.memory_space<semaphore_mem>>)
      %dma_wait3A = arith.constant 0 : i32
      %dma_wait3A_39 = tpu.memref_slice %arg4[%dma_wait3A] : memref<33792xf32, #tpu.memory_space<vmem>> -> memref<32768xf32, #tpu.memory_space<vmem>>
      %dma_wait3A_40 = tpu.memref_slice %arg2[%mul3A_9] : memref<1048576xf32, #tpu.memory_space<hbm>> -> memref<32768xf32, #tpu.memory_space<hbm>>
      %dma_wait3A_41 = arith.constant 0 : i32
      %dma_wait3A_42 = tpu.memref_slice %arg4[%dma_wait3A_41] : memref<33792xf32, #tpu.memory_space<vmem>> -> memref<32768xf32, #tpu.memory_space<vmem>>
      %dma_wait3A_43 = tpu.memref_slice %arg2[%mul3A_9] : memref<1048576xf32, #tpu.memory_space<hbm>> -> memref<32768xf32, #tpu.memory_space<hbm>>
      tpu.wait_dma2 semaphore(%run_scoped3A : memref<!tpu.dma_semaphore, #tpu.memory_space<semaphore_mem>>) src(%dma_wait3A_43 : memref<32768xf32, #tpu.memory_space<hbm>>) dst(%dma_wait3A_42 : memref<32768xf32, #tpu.memory_space<vmem>>)
      tpu.yield
    }) : () -> ()
    %scan3A = arith.constant 0 : i32
    %scan3A_10 = arith.constant 0 : i32
    %scan3A_11 = arith.constant 32 : i32
    %scan3A_12 = arith.addi %scan3A_10, %scan3A_11 : i32
    %scan3A_13 = arith.constant 1 : i32
    %scan3A_14 = scf.for %scan3A_34 = %scan3A_10 to %scan3A_12 step %scan3A_13 iter_args(%scan3A_35 = %scan3A) -> (i32)  : i32 {
      %mul3A_36 = arith.constant 1024 : i32
      %mul3A_37 = arith.muli %scan3A_34, %mul3A_36 : i32
      %add3A_38 = arith.addi %mul3A_37, %mul3A_2 : i32
      %add3A_39 = arith.addi %add3A_38, %scan3A_34 : i32
      %add3A_40 = arith.constant 1 : i32
      %add3A_41 = arith.addi %add3A_39, %add3A_40 : i32
      %sub3A_42 = arith.constant 1023 : i32
      %sub3A_43 = arith.subi %sub3A_42, %mul3A_2 : i32
      %mul3A_44 = arith.muli %scan3A_34, %sub3A_43 : i32
      %sub3A_45 = arith.constant 1 : i32
      %sub3A_46 = arith.subi %scan3A_34, %sub3A_45 : i32
      %mul3A_47 = arith.muli %scan3A_34, %sub3A_46 : i32
      %jit3A = arith.constant 2 : i32
      %div3A = arith.divsi %mul3A_47, %jit3A : i32
      %sign3A = arith.constant 0 : i32
      %sign3A_48 = arith.cmpi sgt, %mul3A_47, %sign3A : i32
      %sign3A_49 = arith.extui %sign3A_48 : i1 to i32
      %sign3A_50 = arith.constant 0 : i32
      %sign3A_51 = arith.cmpi slt, %mul3A_47, %sign3A_50 : i32
      %sign3A_52 = arith.extui %sign3A_51 : i1 to i32
      %sign3A_53 = arith.subi %sign3A_49, %sign3A_52 : i32
      %sign3A_54 = arith.constant 0 : i32
      %sign3A_55 = arith.cmpi sgt, %jit3A, %sign3A_54 : i32
      %sign3A_56 = arith.extui %sign3A_55 : i1 to i32
      %sign3A_57 = arith.constant 0 : i32
      %sign3A_58 = arith.cmpi slt, %jit3A, %sign3A_57 : i32
      %sign3A_59 = arith.extui %sign3A_58 : i1 to i32
      %sign3A_60 = arith.subi %sign3A_56, %sign3A_59 : i32
      %ne3A = arith.cmpi ne, %sign3A_53, %sign3A_60 : i32
      %rem3A = arith.remsi %mul3A_47, %jit3A : i32
      %ne3A_61 = arith.constant 0 : i32
      %ne3A_62 = arith.cmpi ne, %rem3A, %ne3A_61 : i32
      %and3A = arith.andi %ne3A, %ne3A_62 : i1
      %sub3A_63 = arith.constant 1 : i32
      %sub3A_64 = arith.subi %div3A, %sub3A_63 : i32
      %select_n3A = arith.select %and3A, %sub3A_64, %div3A : i32
      %sub3A_65 = arith.subi %mul3A_44, %select_n3A : i32
      %scan3A_66 = arith.constant 0 : i32
      %scan3A_67 = arith.constant 0 : i32
      %scan3A_68 = arith.constant 64 : i32
      %scan3A_69 = arith.addi %scan3A_67, %scan3A_68 : i32
      %scan3A_70 = arith.constant 1 : i32
      %scan3A_71 = scf.for %scan3A_73 = %scan3A_67 to %scan3A_69 step %scan3A_70 iter_args(%scan3A_74 = %scan3A_66) -> (i32)  : i32 {
        %mul3A_75 = arith.constant 16 : i32
        %mul3A_76 = arith.muli %scan3A_73, %mul3A_75 : i32
        %add3A_77 = arith.addi %add3A_41, %mul3A_76 : i32
        %add3A_78 = vector.broadcast %add3A_77 : i32 to vector<16xi32>
        %add3A_79 = arith.addi %add3A_78, %iota3A : vector<16xi32>
        %gather3A = tpu.vector_load_idx %arg4[%add3A_79] : memref<33792xf32, #tpu.memory_space<vmem>>[vector<16xi32>], vector<16xf32>,
        %add3A_80 = arith.addi %sub3A_65, %mul3A_76 : i32
        %add3A_81 = vector.broadcast %add3A_80 : i32 to vector<16xi32>
        %add3A_82 = arith.addi %add3A_81, %iota3A : vector<16xi32>
        tpu.vector_store_idx %arg5[%add3A_82], %gather3A : memref<33264xf32, #tpu.memory_space<vmem>>[vector<16xi32>], vector<16xf32>,
        %scan3A_83 = arith.constant 0 : i32
        scf.yield %scan3A_83 : i32
      }
      %scan3A_72 = arith.constant 64 : i32
      scf.yield %scan3A_71 : i32
    }
    %scan3A_15 = arith.constant 32 : i32
    %sub3A_16 = arith.constant 31 : i32
    %sub3A_17 = arith.subi %sub3A_16, %add3A : i32
    %while3A = arith.constant 0 : i32
    %while3A_18 = arith.constant 0 : i32
    %while3A_19 = arith.subi %sub3A_17, %while3A : i32
    %while3A_20 = arith.addi %while3A, %while3A_19 : i32
    %while3A_21 = arith.constant 1 : i32
    %while3A_22 = arith.divsi %while3A_19, %while3A_21 : i32
    %while3A_23 = arith.muli %while3A_22, %while3A_21 : i32
    %while3A_24 = arith.addi %while3A, %while3A_23 : i32
    %while3A_25 = arith.constant 1 : i32
    %while3A_26 = scf.for %while3A_34 = %while3A to %while3A_24 step %while3A_25 iter_args(%while3A_35 = %while3A_18) -> (i32)  : i32 {
      %mul3A_36 = arith.constant 1024 : i32
      %mul3A_37 = arith.muli %while3A_34, %mul3A_36 : i32
      %mul3A_38 = arith.constant 1024 : i32
      %mul3A_39 = arith.muli %while3A_34, %mul3A_38 : i32
      %add3A_40 = arith.addi %sub3A, %mul3A_39 : i32
      "tpu.region"() ({
        %run_scoped3A = tpu.sem_alloc : memref<!tpu.dma_semaphore, #tpu.memory_space<semaphore_mem>>
        %dma_start3A = tpu.memref_slice %arg5[%mul3A_37] : memref<33264xf32, #tpu.memory_space<vmem>> -> memref<1024xf32, #tpu.memory_space<vmem>>
        %dma_start3A_42 = tpu.memref_slice %arg3[%add3A_40] : memref<523776xf32, #tpu.memory_space<hbm>> -> memref<1024xf32, #tpu.memory_space<hbm>>
        %dma_start3A_43 = tpu.memref_slice %arg3[%add3A_40] : memref<523776xf32, #tpu.memory_space<hbm>> -> memref<1024xf32, #tpu.memory_space<hbm>>
        %dma_start3A_44 = tpu.memref_slice %arg5[%mul3A_37] : memref<33264xf32, #tpu.memory_space<vmem>> -> memref<1024xf32, #tpu.memory_space<vmem>>
        tpu.enqueue_dma source(%dma_start3A_44 : memref<1024xf32, #tpu.memory_space<vmem>>) target(%dma_start3A_43 : memref<1024xf32, #tpu.memory_space<hbm>>) target_semaphore(%run_scoped3A : memref<!tpu.dma_semaphore, #tpu.memory_space<semaphore_mem>>)
        %dma_wait3A = tpu.memref_slice %arg5[%mul3A_37] : memref<33264xf32, #tpu.memory_space<vmem>> -> memref<1024xf32, #tpu.memory_space<vmem>>
        %dma_wait3A_45 = tpu.memref_slice %arg3[%add3A_40] : memref<523776xf32, #tpu.memory_space<hbm>> -> memref<1024xf32, #tpu.memory_space<hbm>>
        %dma_wait3A_46 = tpu.memref_slice %arg3[%add3A_40] : memref<523776xf32, #tpu.memory_space<hbm>> -> memref<1024xf32, #tpu.memory_space<hbm>>
        %dma_wait3A_47 = tpu.memref_slice %arg5[%mul3A_37] : memref<33264xf32, #tpu.memory_space<vmem>> -> memref<1024xf32, #tpu.memory_space<vmem>>
        tpu.wait_dma2 semaphore(%run_scoped3A : memref<!tpu.dma_semaphore, #tpu.memory_space<semaphore_mem>>) src(%dma_wait3A_47 : memref<1024xf32, #tpu.memory_space<vmem>>) dst(%dma_wait3A_46 : memref<1024xf32, #tpu.memory_space<hbm>>)
        tpu.yield
      }) : () -> ()
      %while3A_41 = arith.constant 0 : i32
      scf.yield %while3A_41 : i32
    }
    %while3A_27 = arith.constant 1 : i32
    %while3A_28 = scf.for %while3A_34 = %while3A_24 to %while3A_20 step %while3A_27 iter_args(%while3A_35 = %while3A_26) -> (i32)  : i32 {
      %mul3A_36 = arith.constant 1024 : i32
      %mul3A_37 = arith.muli %while3A_34, %mul3A_36 : i32
      %mul3A_38 = arith.constant 1024 : i32
      %mul3A_39 = arith.muli %while3A_34, %mul3A_38 : i32
      %add3A_40 = arith.addi %sub3A, %mul3A_39 : i32
      "tpu.region"() ({
        %run_scoped3A = tpu.sem_alloc : memref<!tpu.dma_semaphore, #tpu.memory_space<semaphore_mem>>
        %dma_start3A = tpu.memref_slice %arg5[%mul3A_37] : memref<33264xf32, #tpu.memory_space<vmem>> -> memref<1024xf32, #tpu.memory_space<vmem>>
        %dma_start3A_42 = tpu.memref_slice %arg3[%add3A_40] : memref<523776xf32, #tpu.memory_space<hbm>> -> memref<1024xf32, #tpu.memory_space<hbm>>
        %dma_start3A_43 = tpu.memref_slice %arg3[%add3A_40] : memref<523776xf32, #tpu.memory_space<hbm>> -> memref<1024xf32, #tpu.memory_space<hbm>>
        %dma_start3A_44 = tpu.memref_slice %arg5[%mul3A_37] : memref<33264xf32, #tpu.memory_space<vmem>> -> memref<1024xf32, #tpu.memory_space<vmem>>
        tpu.enqueue_dma source(%dma_start3A_44 : memref<1024xf32, #tpu.memory_space<vmem>>) target(%dma_start3A_43 : memref<1024xf32, #tpu.memory_space<hbm>>) target_semaphore(%run_scoped3A : memref<!tpu.dma_semaphore, #tpu.memory_space<semaphore_mem>>)
        %dma_wait3A = tpu.memref_slice %arg5[%mul3A_37] : memref<33264xf32, #tpu.memory_space<vmem>> -> memref<1024xf32, #tpu.memory_space<vmem>>
        %dma_wait3A_45 = tpu.memref_slice %arg3[%add3A_40] : memref<523776xf32, #tpu.memory_space<hbm>> -> memref<1024xf32, #tpu.memory_space<hbm>>
        %dma_wait3A_46 = tpu.memref_slice %arg3[%add3A_40] : memref<523776xf32, #tpu.memory_space<hbm>> -> memref<1024xf32, #tpu.memory_space<hbm>>
        %dma_wait3A_47 = tpu.memref_slice %arg5[%mul3A_37] : memref<33264xf32, #tpu.memory_space<vmem>> -> memref<1024xf32, #tpu.memory_space<vmem>>
        tpu.wait_dma2 semaphore(%run_scoped3A : memref<!tpu.dma_semaphore, #tpu.memory_space<semaphore_mem>>) src(%dma_wait3A_47 : memref<1024xf32, #tpu.memory_space<vmem>>) dst(%dma_wait3A_46 : memref<1024xf32, #tpu.memory_space<hbm>>)
        tpu.yield
      }) : () -> ()
      %while3A_41 = arith.constant 0 : i32
      scf.yield %while3A_41 : i32
    }
    %mul3A_29 = arith.constant 1024 : i32
    %mul3A_30 = arith.muli %sub3A_17, %mul3A_29 : i32
    %mul3A_31 = arith.constant 1024 : i32
    %mul3A_32 = arith.muli %sub3A_17, %mul3A_31 : i32
    %add3A_33 = arith.addi %sub3A, %mul3A_32 : i32
    "tpu.region"() ({
      %run_scoped3A = tpu.sem_alloc : memref<!tpu.dma_semaphore, #tpu.memory_space<semaphore_mem>>
      %dma_start3A = tpu.memref_slice %arg5[%mul3A_30] : memref<33264xf32, #tpu.memory_space<vmem>> -> memref<496xf32, #tpu.memory_space<vmem>>
      %dma_start3A_34 = tpu.memref_slice %arg3[%add3A_33] : memref<523776xf32, #tpu.memory_space<hbm>> -> memref<496xf32, #tpu.memory_space<hbm>>
      %dma_start3A_35 = tpu.memref_slice %arg3[%add3A_33] : memref<523776xf32, #tpu.memory_space<hbm>> -> memref<496xf32, #tpu.memory_space<hbm>>
      %dma_start3A_36 = tpu.memref_slice %arg5[%mul3A_30] : memref<33264xf32, #tpu.memory_space<vmem>> -> memref<496xf32, #tpu.memory_space<vmem>>
      tpu.enqueue_dma source(%dma_start3A_36 : memref<496xf32, #tpu.memory_space<vmem>>) target(%dma_start3A_35 : memref<496xf32, #tpu.memory_space<hbm>>) target_semaphore(%run_scoped3A : memref<!tpu.dma_semaphore, #tpu.memory_space<semaphore_mem>>)
      %dma_wait3A = tpu.memref_slice %arg5[%mul3A_30] : memref<33264xf32, #tpu.memory_space<vmem>> -> memref<496xf32, #tpu.memory_space<vmem>>
      %dma_wait3A_37 = tpu.memref_slice %arg3[%add3A_33] : memref<523776xf32, #tpu.memory_space<hbm>> -> memref<496xf32, #tpu.memory_space<hbm>>
      %dma_wait3A_38 = tpu.memref_slice %arg3[%add3A_33] : memref<523776xf32, #tpu.memory_space<hbm>> -> memref<496xf32, #tpu.memory_space<hbm>>
      %dma_wait3A_39 = tpu.memref_slice %arg5[%mul3A_30] : memref<33264xf32, #tpu.memory_space<vmem>> -> memref<496xf32, #tpu.memory_space<vmem>>
      tpu.wait_dma2 semaphore(%run_scoped3A : memref<!tpu.dma_semaphore, #tpu.memory_space<semaphore_mem>>) src(%dma_wait3A_39 : memref<496xf32, #tpu.memory_space<vmem>>) dst(%dma_wait3A_38 : memref<496xf32, #tpu.memory_space<hbm>>)
      tpu.yield
    }) : () -> ()
    return
  }
}

module attributes {stable_mosaic.version = 14 : i64} {
  func.func @_prolog_body(%arg0: memref<1024x128xf32, #tpu.memory_space<vmem>>, %arg1: memref<64x128xf32, #tpu.memory_space<vmem>>, %arg2: memref<1x64xf32, #tpu.memory_space<vmem>>, %arg3: memref<64x64xf32, #tpu.memory_space<vmem>>, %arg4: memref<64x64xf32, #tpu.memory_space<vmem>>, %arg5: memref<1x64xf32, #tpu.memory_space<vmem>>, %arg6: memref<1x64xf32, #tpu.memory_space<vmem>>, %arg7: memref<32x64xf32, #tpu.memory_space<vmem>>, %arg8: memref<1024x64xf32, #tpu.memory_space<vmem>>, %arg9: memref<64x1024xf32, #tpu.memory_space<vmem>>, %arg10: memref<1024x64xf32, #tpu.memory_space<vmem>>, %arg11: memref<64x1024xf32, #tpu.memory_space<vmem>>, %arg12: memref<1024x1xf32, #tpu.memory_space<vmem>>, %arg13: memref<1x1024xf32, #tpu.memory_space<vmem>>, %arg14: memref<128x32x64xf32, #tpu.memory_space<vmem>>) attributes {dimension_semantics = [], scalar_prefetch = 0 : i64, scratch_operands = 0 : i64, tpu.core_type = #tpu.core_type<tc>} {
    %get3A = arith.constant 0 : index
    %get3A_0 = arith.constant 0 : index
    %get3A_1 = vector.load %arg0[%get3A, %get3A_0] : memref<1024x128xf32, #tpu.memory_space<vmem>>, vector<1024x128xf32>
    %get3A_2 = arith.constant 0 : index
    %get3A_3 = arith.constant 0 : index
    %get3A_4 = vector.load %arg1[%get3A_2, %get3A_3] : memref<64x128xf32, #tpu.memory_space<vmem>>, vector<64x128xf32>
    %transpose3A = tpu.transpose %get3A_4, [1, 0] : vector<64x128xf32> -> vector<128x64xf32>
    %dot_general3A = arith.constant dense<0.000000e+00> : vector<1024x64xf32>
    %dot_general3A_5 = tpu.matmul %get3A_1, %transpose3A, %dot_general3A {dimension_numbers = #tpu.dot_dimension_numbers<[1], [0], [0], [1], [0, 0, 1, 1], [], []>, transpose_lhs_hint = false} : vector<1024x128xf32>, vector<128x64xf32>, vector<1024x64xf32> -> vector<1024x64xf32>
    %get3A_6 = arith.constant 0 : index
    %get3A_7 = arith.constant 0 : index
    %get3A_8 = vector.load %arg2[%get3A_6, %get3A_7] : memref<1x64xf32, #tpu.memory_space<vmem>>, vector<1x64xf32>
    %add3A = vector.broadcast %get3A_8 : vector<1x64xf32> to vector<1024x64xf32>
    %add3A_9 = arith.addf %dot_general3A_5, %add3A : vector<1024x64xf32>
    %max3A = arith.constant 0.000000e+00 : f32
    %max3A_10 = vector.broadcast %max3A : f32 to vector<1024x64xf32>
    %max3A_11 = arith.maximumf %add3A_9, %max3A_10 : vector<1024x64xf32>
    %get3A_12 = arith.constant 0 : index
    %get3A_13 = arith.constant 0 : index
    %get3A_14 = vector.load %arg3[%get3A_12, %get3A_13] : memref<64x64xf32, #tpu.memory_space<vmem>>, vector<64x64xf32>
    %transpose3A_15 = tpu.transpose %get3A_14, [1, 0] : vector<64x64xf32> -> vector<64x64xf32>
    %dot_general3A_16 = arith.constant dense<0.000000e+00> : vector<1024x64xf32>
    %dot_general3A_17 = tpu.matmul %max3A_11, %transpose3A_15, %dot_general3A_16 {dimension_numbers = #tpu.dot_dimension_numbers<[1], [0], [0], [1], [0, 0, 1, 1], [], []>, transpose_lhs_hint = false} : vector<1024x64xf32>, vector<64x64xf32>, vector<1024x64xf32> -> vector<1024x64xf32>
    %get3A_18 = arith.constant 0 : index
    %get3A_19 = arith.constant 0 : index
    %get3A_20 = vector.load %arg5[%get3A_18, %get3A_19] : memref<1x64xf32, #tpu.memory_space<vmem>>, vector<1x64xf32>
    %add3A_21 = vector.broadcast %get3A_20 : vector<1x64xf32> to vector<1024x64xf32>
    %add3A_22 = arith.addf %dot_general3A_17, %add3A_21 : vector<1024x64xf32>
    %get3A_23 = arith.constant 0 : index
    %get3A_24 = arith.constant 0 : index
    %get3A_25 = vector.load %arg4[%get3A_23, %get3A_24] : memref<64x64xf32, #tpu.memory_space<vmem>>, vector<64x64xf32>
    %transpose3A_26 = tpu.transpose %get3A_25, [1, 0] : vector<64x64xf32> -> vector<64x64xf32>
    %dot_general3A_27 = arith.constant dense<0.000000e+00> : vector<1024x64xf32>
    %dot_general3A_28 = tpu.matmul %max3A_11, %transpose3A_26, %dot_general3A_27 {dimension_numbers = #tpu.dot_dimension_numbers<[1], [0], [0], [1], [0, 0, 1, 1], [], []>, transpose_lhs_hint = false} : vector<1024x64xf32>, vector<64x64xf32>, vector<1024x64xf32> -> vector<1024x64xf32>
    %reduce_sum3A = arith.constant dense<0.000000e+00> : vector<1024xf32>
    %reduce_sum3A_29 = vector.multi_reduction <add>, %add3A_22, %reduce_sum3A [1] : vector<1024x64xf32> to vector<1024xf32>
    %broadcast_in_dim3A = vector.shape_cast %reduce_sum3A_29 : vector<1024xf32> to vector<1024x1xf32>
    %div3A = arith.constant 6.400000e+01 : f32
    %div3A_30 = vector.broadcast %div3A : f32 to vector<1024x1xf32>
    %div3A_31 = arith.divf %broadcast_in_dim3A, %div3A_30 : vector<1024x1xf32>
    %sub3A = vector.broadcast %div3A_31 : vector<1024x1xf32> to vector<1024x64xf32>
    %sub3A_32 = arith.subf %add3A_22, %sub3A : vector<1024x64xf32>
    %reduce_sum3A_33 = arith.constant dense<0.000000e+00> : vector<1024xf32>
    %reduce_sum3A_34 = vector.multi_reduction <add>, %dot_general3A_28, %reduce_sum3A_33 [1] : vector<1024x64xf32> to vector<1024xf32>
    %broadcast_in_dim3A_35 = vector.shape_cast %reduce_sum3A_34 : vector<1024xf32> to vector<1024x1xf32>
    %div3A_36 = arith.constant 6.400000e+01 : f32
    %div3A_37 = vector.broadcast %div3A_36 : f32 to vector<1024x1xf32>
    %div3A_38 = arith.divf %broadcast_in_dim3A_35, %div3A_37 : vector<1024x1xf32>
    %sub3A_39 = vector.broadcast %div3A_38 : vector<1024x1xf32> to vector<1024x64xf32>
    %sub3A_40 = arith.subf %dot_general3A_28, %sub3A_39 : vector<1024x64xf32>
    %swap3A = arith.constant 0 : index
    %swap3A_41 = arith.constant 0 : index
    %swap3A_42 = vector.load %arg8[%swap3A, %swap3A_41] : memref<1024x64xf32, #tpu.memory_space<vmem>>, vector<1024x64xf32>
    tpu.vector_store %arg8[%swap3A, %swap3A_41], %sub3A_32 {strides = array<i32>} : memref<1024x64xf32, #tpu.memory_space<vmem>>, vector<1024x64xf32>,
    %transpose3A_43 = tpu.transpose %sub3A_40, [1, 0] : vector<1024x64xf32> -> vector<64x1024xf32>
    %swap3A_44 = arith.constant 0 : index
    %swap3A_45 = arith.constant 0 : index
    %swap3A_46 = vector.load %arg9[%swap3A_44, %swap3A_45] : memref<64x1024xf32, #tpu.memory_space<vmem>>, vector<64x1024xf32>
    tpu.vector_store %arg9[%swap3A_44, %swap3A_45], %transpose3A_43 {strides = array<i32>} : memref<64x1024xf32, #tpu.memory_space<vmem>>, vector<64x1024xf32>,
    %get3A_47 = arith.constant 0 : index
    %get3A_48 = arith.constant 0 : index
    %get3A_49 = vector.load %arg6[%get3A_47, %get3A_48] : memref<1x64xf32, #tpu.memory_space<vmem>>, vector<1x64xf32>
    %mul3A = vector.broadcast %get3A_49 : vector<1x64xf32> to vector<1024x64xf32>
    %mul3A_50 = arith.mulf %sub3A_32, %mul3A : vector<1024x64xf32>
    %swap3A_51 = arith.constant 0 : index
    %swap3A_52 = arith.constant 0 : index
    %swap3A_53 = vector.load %arg10[%swap3A_51, %swap3A_52] : memref<1024x64xf32, #tpu.memory_space<vmem>>, vector<1024x64xf32>
    tpu.vector_store %arg10[%swap3A_51, %swap3A_52], %mul3A_50 {strides = array<i32>} : memref<1024x64xf32, #tpu.memory_space<vmem>>, vector<1024x64xf32>,
    %get3A_54 = arith.constant 0 : index
    %get3A_55 = arith.constant 0 : index
    %get3A_56 = vector.load %arg6[%get3A_54, %get3A_55] : memref<1x64xf32, #tpu.memory_space<vmem>>, vector<1x64xf32>
    %mul3A_57 = vector.broadcast %get3A_56 : vector<1x64xf32> to vector<1024x64xf32>
    %mul3A_58 = arith.mulf %sub3A_40, %mul3A_57 : vector<1024x64xf32>
    %transpose3A_59 = tpu.transpose %mul3A_58, [1, 0] : vector<1024x64xf32> -> vector<64x1024xf32>
    %swap3A_60 = arith.constant 0 : index
    %swap3A_61 = arith.constant 0 : index
    %swap3A_62 = vector.load %arg11[%swap3A_60, %swap3A_61] : memref<64x1024xf32, #tpu.memory_space<vmem>>, vector<64x1024xf32>
    tpu.vector_store %arg11[%swap3A_60, %swap3A_61], %transpose3A_59 {strides = array<i32>} : memref<64x1024xf32, #tpu.memory_space<vmem>>, vector<64x1024xf32>,
    %mul3A_63 = arith.mulf %sub3A_32, %sub3A_32 : vector<1024x64xf32>
    %reduce_sum3A_64 = arith.constant dense<0.000000e+00> : vector<1024xf32>
    %reduce_sum3A_65 = vector.multi_reduction <add>, %mul3A_63, %reduce_sum3A_64 [1] : vector<1024x64xf32> to vector<1024xf32>
    %broadcast_in_dim3A_66 = vector.shape_cast %reduce_sum3A_65 : vector<1024xf32> to vector<1024x1xf32>
    %div3A_67 = arith.constant 6.400000e+01 : f32
    %div3A_68 = vector.broadcast %div3A_67 : f32 to vector<1024x1xf32>
    %div3A_69 = arith.divf %broadcast_in_dim3A_66, %div3A_68 : vector<1024x1xf32>
    %swap3A_70 = arith.constant 0 : index
    %swap3A_71 = arith.constant 0 : index
    %swap3A_72 = vector.load %arg12[%swap3A_70, %swap3A_71] : memref<1024x1xf32, #tpu.memory_space<vmem>>, vector<1024x1xf32>
    tpu.vector_store %arg12[%swap3A_70, %swap3A_71], %div3A_69 {strides = array<i32>} : memref<1024x1xf32, #tpu.memory_space<vmem>>, vector<1024x1xf32>,
    %mul3A_73 = arith.mulf %sub3A_40, %sub3A_40 : vector<1024x64xf32>
    %reduce_sum3A_74 = arith.constant dense<0.000000e+00> : vector<1024xf32>
    %reduce_sum3A_75 = vector.multi_reduction <add>, %mul3A_73, %reduce_sum3A_74 [1] : vector<1024x64xf32> to vector<1024xf32>
    %div3A_76 = arith.constant 6.400000e+01 : f32
    %div3A_77 = vector.broadcast %div3A_76 : f32 to vector<1024xf32>
    %div3A_78 = arith.divf %reduce_sum3A_75, %div3A_77 : vector<1024xf32>
    %reshape3A = vector.shape_cast %div3A_78 : vector<1024xf32> to vector<1x1024xf32>
    %swap3A_79 = arith.constant 0 : index
    %swap3A_80 = arith.constant 0 : index
    %swap3A_81 = vector.load %arg13[%swap3A_79, %swap3A_80] : memref<1x1024xf32, #tpu.memory_space<vmem>>, vector<1x1024xf32>
    tpu.vector_store %arg13[%swap3A_79, %swap3A_80], %reshape3A {strides = array<i32>} : memref<1x1024xf32, #tpu.memory_space<vmem>>, vector<1x1024xf32>,
    %get3A_82 = arith.constant 0 : index
    %get3A_83 = arith.constant 0 : index
    %get3A_84 = vector.load %arg7[%get3A_82, %get3A_83] : memref<32x64xf32, #tpu.memory_space<vmem>>, vector<32x64xf32>
    %broadcast_in_dim3A_85 = vector.shape_cast %get3A_84 : vector<32x64xf32> to vector<1x32x64xf32>
    %broadcast_in_dim3A_86 = vector.shape_cast %broadcast_in_dim3A_85 : vector<1x32x64xf32> to vector<1x32x64xf32>
    %broadcast_in_dim3A_87 = vector.broadcast %broadcast_in_dim3A_86 : vector<1x32x64xf32> to vector<128x32x64xf32>
    %swap3A_88 = arith.constant 0 : index
    %swap3A_89 = arith.constant 0 : index
    %swap3A_90 = arith.constant 0 : index
    %swap3A_91 = vector.load %arg14[%swap3A_88, %swap3A_89, %swap3A_90] : memref<128x32x64xf32, #tpu.memory_space<vmem>>, vector<128x32x64xf32>
    tpu.vector_store %arg14[%swap3A_88, %swap3A_89, %swap3A_90], %broadcast_in_dim3A_87 {strides = array<i32>} : memref<128x32x64xf32, #tpu.memory_space<vmem>>, vector<128x32x64xf32>,
    return
  }
}

module attributes {stable_mosaic.version = 14 : i64} {
  func.func @_pair_body(%arg0: i32, %arg1: i32, %arg2: memref<128x64xf32, #tpu.memory_space<vmem>>, %arg3: memref<64x128xf32, #tpu.memory_space<vmem>>, %arg4: memref<128x64xf32, #tpu.memory_space<vmem>>, %arg5: memref<64x128xf32, #tpu.memory_space<vmem>>, %arg6: memref<128x1xf32, #tpu.memory_space<vmem>>, %arg7: memref<1x128xf32, #tpu.memory_space<vmem>>, %arg8: memref<64x1xf32, #tpu.memory_space<vmem>>, %arg9: memref<128x32x64xf32, #tpu.memory_space<vmem>>, %arg10: memref<32x1xf32, #tpu.memory_space<vmem>>, %arg11: memref<32x1xf32, #tpu.memory_space<vmem>>, %arg12: memref<1x1xf32, #tpu.memory_space<vmem>>, %arg13: memref<128x128xf32, #tpu.memory_space<vmem>>, %arg14: memref<36x128x128xf32, #tpu.memory_space<vmem>>) attributes {dimension_semantics = [#tpu.dimension_semantics<arbitrary>, #tpu.dimension_semantics<arbitrary>], iteration_bounds = array<i64: 8, 8>, scalar_prefetch = 0 : i64, scratch_operands = 1 : i64, tpu.core_type = #tpu.core_type<tc>, window_params = [{transform_indices = @transform_0, window_bounds = array<i64: 128, 64>}, {transform_indices = @transform_1, window_bounds = array<i64: 64, 128>}, {transform_indices = @transform_2, window_bounds = array<i64: 128, 64>}, {transform_indices = @transform_3, window_bounds = array<i64: 64, 128>}, {transform_indices = @transform_4, window_bounds = array<i64: 128, 1>}, {transform_indices = @transform_5, window_bounds = array<i64: 1, 128>}, {pipeline_mode = #tpu.pipeline_mode<synchronous>, transform_indices = @transform_6, window_bounds = array<i64: 64, 1>}, {pipeline_mode = #tpu.pipeline_mode<synchronous>, transform_indices = @transform_7, window_bounds = array<i64: 128, 32, 64>}, {pipeline_mode = #tpu.pipeline_mode<synchronous>, transform_indices = @transform_8, window_bounds = array<i64: 32, 1>}, {pipeline_mode = #tpu.pipeline_mode<synchronous>, transform_indices = @transform_9, window_bounds = array<i64: 32, 1>}, {pipeline_mode = #tpu.pipeline_mode<synchronous>, transform_indices = @transform_10, window_bounds = array<i64: 1, 1>}, {transform_indices = @transform_11, window_bounds = array<i64: 128, 128>}]} {
    %le3A = arith.cmpi sle, %arg0, %arg1 : i32
    %convert_element_type3A = arith.extui %le3A : i1 to i32
    %cond3A = arith.constant 0 : i32
    %cond3A_0 = arith.cmpi ne, %convert_element_type3A, %cond3A : i32
    scf.if %cond3A_0 {
      %get3A = arith.constant 0 : index
      %get3A_4 = arith.constant 0 : index
      %get3A_5 = vector.load %arg2[%get3A, %get3A_4] : memref<128x64xf32, #tpu.memory_space<vmem>>, vector<128x64xf32>
      %get3A_6 = arith.constant 0 : index
      %get3A_7 = arith.constant 0 : index
      %get3A_8 = vector.load %arg3[%get3A_6, %get3A_7] : memref<64x128xf32, #tpu.memory_space<vmem>>, vector<64x128xf32>
      %dot_general3A = arith.constant dense<0.000000e+00> : vector<128x128xf32>
      %dot_general3A_9 = tpu.matmul %get3A_5, %get3A_8, %dot_general3A {dimension_numbers = #tpu.dot_dimension_numbers<[1], [0], [0], [1], [0, 0, 1, 1], [], []>, transpose_lhs_hint = false} : vector<128x64xf32>, vector<64x128xf32>, vector<128x128xf32> -> vector<128x128xf32>
      %get3A_10 = arith.constant 0 : index
      %get3A_11 = arith.constant 0 : index
      %get3A_12 = vector.load %arg6[%get3A_10, %get3A_11] : memref<128x1xf32, #tpu.memory_space<vmem>>, vector<128x1xf32>
      %get3A_13 = arith.constant 0 : index
      %get3A_14 = arith.constant 0 : index
      %get3A_15 = vector.load %arg7[%get3A_13, %get3A_14] : memref<1x128xf32, #tpu.memory_space<vmem>>, vector<1x128xf32>
      %add3A = vector.broadcast %get3A_12 : vector<128x1xf32> to vector<128x128xf32>
      %add3A_16 = vector.broadcast %get3A_15 : vector<1x128xf32> to vector<128x128xf32>
      %add3A_17 = arith.addf %add3A, %add3A_16 : vector<128x128xf32>
      %mul3A = arith.constant 3.125000e-02 : f32
      %mul3A_18 = vector.broadcast %mul3A : f32 to vector<128x128xf32>
      %mul3A_19 = arith.mulf %mul3A_18, %dot_general3A_9 : vector<128x128xf32>
      %add3A_20 = arith.addf %add3A_17, %mul3A_19 : vector<128x128xf32>
      %add3A_21 = arith.constant 9.99999974E-6 : f32
      %add3A_22 = vector.broadcast %add3A_21 : f32 to vector<128x128xf32>
      %add3A_23 = arith.addf %add3A_20, %add3A_22 : vector<128x128xf32>
      %rsqrt3A = math.rsqrt %add3A_23 : vector<128x128xf32>
      %get3A_24 = arith.constant 0 : index
      %get3A_25 = arith.constant 0 : index
      %get3A_26 = vector.load %arg4[%get3A_24, %get3A_25] : memref<128x64xf32, #tpu.memory_space<vmem>>, vector<128x64xf32>
      %broadcast_in_dim3A = vector.shape_cast %get3A_26 : vector<128x64xf32> to vector<128x64x1xf32>
      %get3A_27 = arith.constant 0 : index
      %get3A_28 = arith.constant 0 : index
      %get3A_29 = vector.load %arg5[%get3A_27, %get3A_28] : memref<64x128xf32, #tpu.memory_space<vmem>>, vector<64x128xf32>
      %broadcast_in_dim3A_30 = vector.shape_cast %get3A_29 : vector<64x128xf32> to vector<1x64x128xf32>
      %add3A_31 = vector.broadcast %broadcast_in_dim3A : vector<128x64x1xf32> to vector<128x64x128xf32>
      %add3A_32 = vector.broadcast %broadcast_in_dim3A_30 : vector<1x64x128xf32> to vector<128x64x128xf32>
      %add3A_33 = arith.addf %add3A_31, %add3A_32 : vector<128x64x128xf32>
      %broadcast_in_dim3A_34 = vector.shape_cast %rsqrt3A : vector<128x128xf32> to vector<128x1x128xf32>
      %mul3A_35 = vector.broadcast %broadcast_in_dim3A_34 : vector<128x1x128xf32> to vector<128x64x128xf32>
      %mul3A_36 = arith.mulf %add3A_33, %mul3A_35 : vector<128x64x128xf32>
      %get3A_37 = arith.constant 0 : index
      %get3A_38 = arith.constant 0 : index
      %get3A_39 = vector.load %arg8[%get3A_37, %get3A_38] : memref<64x1xf32, #tpu.memory_space<vmem>>, vector<64x1xf32>
      %broadcast_in_dim3A_40 = vector.shape_cast %get3A_39 : vector<64x1xf32> to vector<1x64x1xf32>
      %add3A_41 = vector.broadcast %broadcast_in_dim3A_40 : vector<1x64x1xf32> to vector<128x64x128xf32>
      %add3A_42 = arith.addf %mul3A_36, %add3A_41 : vector<128x64x128xf32>
      %max3A = arith.constant 0.000000e+00 : f32
      %max3A_43 = vector.broadcast %max3A : f32 to vector<128x64x128xf32>
      %max3A_44 = arith.maximumf %add3A_42, %max3A_43 : vector<128x64x128xf32>
      %get3A_45 = arith.constant 0 : index
      %get3A_46 = arith.constant 0 : index
      %get3A_47 = arith.constant 0 : index
      %get3A_48 = vector.load %arg9[%get3A_45, %get3A_46, %get3A_47] : memref<128x32x64xf32, #tpu.memory_space<vmem>>, vector<128x32x64xf32>
      %dot_general3A_49 = arith.constant dense<0.000000e+00> : vector<128x32x128xf32>
      %dot_general3A_50 = tpu.matmul %get3A_48, %max3A_44, %dot_general3A_49 {dimension_numbers = #tpu.dot_dimension_numbers<[2], [1], [1], [2], [0, 0, 0, 1, 1, 2], [0], [0]>, transpose_lhs_hint = false} : vector<128x32x64xf32>, vector<128x64x128xf32>, vector<128x32x128xf32> -> vector<128x32x128xf32>
      %get3A_51 = arith.constant 0 : index
      %get3A_52 = arith.constant 0 : index
      %get3A_53 = vector.load %arg10[%get3A_51, %get3A_52] : memref<32x1xf32, #tpu.memory_space<vmem>>, vector<32x1xf32>
      %broadcast_in_dim3A_54 = vector.shape_cast %get3A_53 : vector<32x1xf32> to vector<1x32x1xf32>
      %add3A_55 = vector.broadcast %broadcast_in_dim3A_54 : vector<1x32x1xf32> to vector<128x32x128xf32>
      %add3A_56 = arith.addf %dot_general3A_50, %add3A_55 : vector<128x32x128xf32>
      %max3A_57 = arith.constant 0.000000e+00 : f32
      %max3A_58 = vector.broadcast %max3A_57 : f32 to vector<128x32x128xf32>
      %max3A_59 = arith.maximumf %add3A_56, %max3A_58 : vector<128x32x128xf32>
      %get3A_60 = arith.constant 0 : index
      %get3A_61 = arith.constant 0 : index
      %get3A_62 = vector.load %arg11[%get3A_60, %get3A_61] : memref<32x1xf32, #tpu.memory_space<vmem>>, vector<32x1xf32>
      %broadcast_in_dim3A_63 = vector.shape_cast %get3A_62 : vector<32x1xf32> to vector<1x32x1xf32>
      %mul3A_64 = vector.broadcast %broadcast_in_dim3A_63 : vector<1x32x1xf32> to vector<128x32x128xf32>
      %mul3A_65 = arith.mulf %max3A_59, %mul3A_64 : vector<128x32x128xf32>
      %reduce_sum3A = arith.constant dense<0.000000e+00> : vector<128x128xf32>
      %reduce_sum3A_66 = vector.multi_reduction <add>, %mul3A_65, %reduce_sum3A [1] : vector<128x32x128xf32> to vector<128x128xf32>
      %get3A_67 = arith.constant 0 : index
      %get3A_68 = arith.constant 0 : index
      %get3A_69 = vector.load %arg12[%get3A_67, %get3A_68] : memref<1x1xf32, #tpu.memory_space<vmem>>, vector<1x1xf32>
      %get3A_70 = vector.extract %get3A_69[0, 0] : f32 from vector<1x1xf32>
      %add3A_71 = vector.broadcast %get3A_70 : f32 to vector<128x128xf32>
      %add3A_72 = arith.addf %reduce_sum3A_66, %add3A_71 : vector<128x128xf32>
      %logistic3A = arith.negf %add3A_72 : vector<128x128xf32>
      %logistic3A_73 = math.exp %logistic3A : vector<128x128xf32>
      %logistic3A_74 = arith.constant 1.000000e+00 : f32
      %logistic3A_75 = vector.broadcast %logistic3A_74 : f32 to vector<128x128xf32>
      %logistic3A_76 = arith.addf %logistic3A_75, %logistic3A_73 : vector<128x128xf32>
      %logistic3A_77 = arith.divf %logistic3A_75, %logistic3A_76 : vector<128x128xf32>
      %mul3A_78 = arith.constant 128 : i32
      %mul3A_79 = arith.muli %arg0, %mul3A_78 : i32
      %iota3A = tpu.iota {dimensions = array<i32: 0>} : vector<128x128xi32>
      %add3A_80 = vector.broadcast %mul3A_79 : i32 to vector<128x128xi32>
      %add3A_81 = arith.addi %add3A_80, %iota3A : vector<128x128xi32>
      %mul3A_82 = arith.constant 128 : i32
      %mul3A_83 = arith.muli %arg1, %mul3A_82 : i32
      %iota3A_84 = tpu.iota {dimensions = array<i32: 1>} : vector<128x128xi32>
      %add3A_85 = vector.broadcast %mul3A_83 : i32 to vector<128x128xi32>
      %add3A_86 = arith.addi %add3A_85, %iota3A_84 : vector<128x128xi32>
      %lt3A = arith.cmpi slt, %add3A_81, %add3A_86 : vector<128x128xi32>
      %jit3A = arith.constant 0.000000e+00 : f32
      %broadcast_in_dim3A_87 = vector.broadcast %jit3A : f32 to vector<128x128xf32>
      %select_n3A = arith.select %lt3A, %logistic3A_77, %broadcast_in_dim3A_87 : vector<128x128xi1>, vector<128x128xf32>
      %mul3A_88 = arith.constant 8 : i32
      %mul3A_89 = arith.muli %arg0, %mul3A_88 : i32
      %sub3A = arith.constant 1 : i32
      %sub3A_90 = arith.subi %arg0, %sub3A : i32
      %mul3A_91 = arith.muli %arg0, %sub3A_90 : i32
      %jit3A_92 = arith.constant 2 : i32
      %div3A = arith.divsi %mul3A_91, %jit3A_92 : i32
      %sign3A = arith.constant 0 : i32
      %sign3A_93 = arith.cmpi sgt, %mul3A_91, %sign3A : i32
      %sign3A_94 = arith.extui %sign3A_93 : i1 to i32
      %sign3A_95 = arith.constant 0 : i32
      %sign3A_96 = arith.cmpi slt, %mul3A_91, %sign3A_95 : i32
      %sign3A_97 = arith.extui %sign3A_96 : i1 to i32
      %sign3A_98 = arith.subi %sign3A_94, %sign3A_97 : i32
      %sign3A_99 = arith.constant 0 : i32
      %sign3A_100 = arith.cmpi sgt, %jit3A_92, %sign3A_99 : i32
      %sign3A_101 = arith.extui %sign3A_100 : i1 to i32
      %sign3A_102 = arith.constant 0 : i32
      %sign3A_103 = arith.cmpi slt, %jit3A_92, %sign3A_102 : i32
      %sign3A_104 = arith.extui %sign3A_103 : i1 to i32
      %sign3A_105 = arith.subi %sign3A_101, %sign3A_104 : i32
      %ne3A = arith.cmpi ne, %sign3A_98, %sign3A_105 : i32
      %rem3A = arith.remsi %mul3A_91, %jit3A_92 : i32
      %ne3A_106 = arith.constant 0 : i32
      %ne3A_107 = arith.cmpi ne, %rem3A, %ne3A_106 : i32
      %and3A = arith.andi %ne3A, %ne3A_107 : i1
      %sub3A_108 = arith.constant 1 : i32
      %sub3A_109 = arith.subi %div3A, %sub3A_108 : i32
      %select_n3A_110 = arith.select %and3A, %sub3A_109, %div3A : i32
      %sub3A_111 = arith.subi %mul3A_89, %select_n3A_110 : i32
      %sub3A_112 = arith.subi %arg1, %arg0 : i32
      %add3A_113 = arith.addi %sub3A_111, %sub3A_112 : i32
      %swap3A = arith.index_cast %add3A_113 : i32 to index
      %swap3A_114 = arith.constant 0 : index
      %swap3A_115 = arith.constant 0 : index
      %swap3A_116 = vector.load %arg14[%swap3A, %swap3A_114, %swap3A_115] : memref<36x128x128xf32, #tpu.memory_space<vmem>>, vector<1x128x128xf32>
      %swap3A_117 = vector.shape_cast %swap3A_116 : vector<1x128x128xf32> to vector<128x128xf32>
      %swap3A_118 = vector.shape_cast %select_n3A : vector<128x128xf32> to vector<1x128x128xf32>
      tpu.vector_store %arg14[%swap3A, %swap3A_114, %swap3A_115], %swap3A_118 {strides = array<i32>} : memref<36x128x128xf32, #tpu.memory_space<vmem>>, vector<1x128x128xf32>,
      %eq3A = arith.cmpi eq, %arg0, %arg1 : i32
      %transpose3A = tpu.transpose %select_n3A, [1, 0] : vector<128x128xf32> -> vector<128x128xf32>
      %add3A_119 = arith.addf %select_n3A, %transpose3A : vector<128x128xf32>
      %select_n3A_120 = arith.select %eq3A, %add3A_119, %select_n3A : vector<128x128xf32>
      %swap3A_121 = arith.constant 0 : index
      %swap3A_122 = arith.constant 0 : index
      %swap3A_123 = vector.load %arg13[%swap3A_121, %swap3A_122] : memref<128x128xf32, #tpu.memory_space<vmem>>, vector<128x128xf32>
      tpu.vector_store %arg13[%swap3A_121, %swap3A_122], %select_n3A_120 {strides = array<i32>} : memref<128x128xf32, #tpu.memory_space<vmem>>, vector<128x128xf32>,
    } else {
    }
    %gt3A = arith.cmpi sgt, %arg0, %arg1 : i32
    %convert_element_type3A_1 = arith.extui %gt3A : i1 to i32
    %cond3A_2 = arith.constant 0 : i32
    %cond3A_3 = arith.cmpi ne, %convert_element_type3A_1, %cond3A_2 : i32
    scf.if %cond3A_3 {
      %mul3A = arith.constant 8 : i32
      %mul3A_4 = arith.muli %arg1, %mul3A : i32
      %sub3A = arith.constant 1 : i32
      %sub3A_5 = arith.subi %arg1, %sub3A : i32
      %mul3A_6 = arith.muli %arg1, %sub3A_5 : i32
      %jit3A = arith.constant 2 : i32
      %div3A = arith.divsi %mul3A_6, %jit3A : i32
      %sign3A = arith.constant 0 : i32
      %sign3A_7 = arith.cmpi sgt, %mul3A_6, %sign3A : i32
      %sign3A_8 = arith.extui %sign3A_7 : i1 to i32
      %sign3A_9 = arith.constant 0 : i32
      %sign3A_10 = arith.cmpi slt, %mul3A_6, %sign3A_9 : i32
      %sign3A_11 = arith.extui %sign3A_10 : i1 to i32
      %sign3A_12 = arith.subi %sign3A_8, %sign3A_11 : i32
      %sign3A_13 = arith.constant 0 : i32
      %sign3A_14 = arith.cmpi sgt, %jit3A, %sign3A_13 : i32
      %sign3A_15 = arith.extui %sign3A_14 : i1 to i32
      %sign3A_16 = arith.constant 0 : i32
      %sign3A_17 = arith.cmpi slt, %jit3A, %sign3A_16 : i32
      %sign3A_18 = arith.extui %sign3A_17 : i1 to i32
      %sign3A_19 = arith.subi %sign3A_15, %sign3A_18 : i32
      %ne3A = arith.cmpi ne, %sign3A_12, %sign3A_19 : i32
      %rem3A = arith.remsi %mul3A_6, %jit3A : i32
      %ne3A_20 = arith.constant 0 : i32
      %ne3A_21 = arith.cmpi ne, %rem3A, %ne3A_20 : i32
      %and3A = arith.andi %ne3A, %ne3A_21 : i1
      %sub3A_22 = arith.constant 1 : i32
      %sub3A_23 = arith.subi %div3A, %sub3A_22 : i32
      %select_n3A = arith.select %and3A, %sub3A_23, %div3A : i32
      %sub3A_24 = arith.subi %mul3A_4, %select_n3A : i32
      %sub3A_25 = arith.subi %arg0, %arg1 : i32
      %add3A = arith.addi %sub3A_24, %sub3A_25 : i32
      %get3A = arith.index_cast %add3A : i32 to index
      %get3A_26 = arith.constant 0 : index
      %get3A_27 = arith.constant 0 : index
      %get3A_28 = vector.load %arg14[%get3A, %get3A_26, %get3A_27] : memref<36x128x128xf32, #tpu.memory_space<vmem>>, vector<1x128x128xf32>
      %get3A_29 = vector.shape_cast %get3A_28 : vector<1x128x128xf32> to vector<128x128xf32>
      %transpose3A = tpu.transpose %get3A_29, [1, 0] : vector<128x128xf32> -> vector<128x128xf32>
      %swap3A = arith.constant 0 : index
      %swap3A_30 = arith.constant 0 : index
      %swap3A_31 = vector.load %arg13[%swap3A, %swap3A_30] : memref<128x128xf32, #tpu.memory_space<vmem>>, vector<128x128xf32>
      tpu.vector_store %arg13[%swap3A, %swap3A_30], %transpose3A {strides = array<i32>} : memref<128x128xf32, #tpu.memory_space<vmem>>, vector<128x128xf32>,
    } else {
    }
    return
  }
  func.func @transform_0(%arg0: i32, %arg1: i32) -> (i32, i32) {
    %min3A = arith.minsi %arg0, %arg1 : i32
    %c0_i32 = arith.constant 0 : i32
    %c0_i32_0 = arith.constant 0 : i32
    return %min3A, %c0_i32 : i32, i32
  }
  func.func @transform_1(%arg0: i32, %arg1: i32) -> (i32, i32) {
    %max3A = arith.maxsi %arg0, %arg1 : i32
    %c0_i32 = arith.constant 0 : i32
    %c0_i32_0 = arith.constant 0 : i32
    return %c0_i32, %max3A : i32, i32
  }
  func.func @transform_2(%arg0: i32, %arg1: i32) -> (i32, i32) {
    %min3A = arith.minsi %arg0, %arg1 : i32
    %c0_i32 = arith.constant 0 : i32
    %c0_i32_0 = arith.constant 0 : i32
    return %min3A, %c0_i32 : i32, i32
  }
  func.func @transform_3(%arg0: i32, %arg1: i32) -> (i32, i32) {
    %max3A = arith.maxsi %arg0, %arg1 : i32
    %c0_i32 = arith.constant 0 : i32
    %c0_i32_0 = arith.constant 0 : i32
    return %c0_i32, %max3A : i32, i32
  }
  func.func @transform_4(%arg0: i32, %arg1: i32) -> (i32, i32) {
    %min3A = arith.minsi %arg0, %arg1 : i32
    %c0_i32 = arith.constant 0 : i32
    %c0_i32_0 = arith.constant 0 : i32
    return %min3A, %c0_i32 : i32, i32
  }
  func.func @transform_5(%arg0: i32, %arg1: i32) -> (i32, i32) {
    %max3A = arith.maxsi %arg0, %arg1 : i32
    %c0_i32 = arith.constant 0 : i32
    %c0_i32_0 = arith.constant 0 : i32
    return %c0_i32, %max3A : i32, i32
  }
  func.func @transform_6(%arg0: i32, %arg1: i32) -> (i32, i32) {
    %c0_i32 = arith.constant 0 : i32
    %c0_i32_0 = arith.constant 0 : i32
    %c0_i32_1 = arith.constant 0 : i32
    return %c0_i32, %c0_i32_0 : i32, i32
  }
  func.func @transform_7(%arg0: i32, %arg1: i32) -> (i32, i32, i32) {
    %c0_i32 = arith.constant 0 : i32
    %c0_i32_0 = arith.constant 0 : i32
    %c0_i32_1 = arith.constant 0 : i32
    %c0_i32_2 = arith.constant 0 : i32
    return %c0_i32, %c0_i32_0, %c0_i32_1 : i32, i32, i32
  }
  func.func @transform_8(%arg0: i32, %arg1: i32) -> (i32, i32) {
    %c0_i32 = arith.constant 0 : i32
    %c0_i32_0 = arith.constant 0 : i32
    %c0_i32_1 = arith.constant 0 : i32
    return %c0_i32, %c0_i32_0 : i32, i32
  }
  func.func @transform_9(%arg0: i32, %arg1: i32) -> (i32, i32) {
    %c0_i32 = arith.constant 0 : i32
    %c0_i32_0 = arith.constant 0 : i32
    %c0_i32_1 = arith.constant 0 : i32
    return %c0_i32, %c0_i32_0 : i32, i32
  }
  func.func @transform_10(%arg0: i32, %arg1: i32) -> (i32, i32) {
    %c0_i32 = arith.constant 0 : i32
    %c0_i32_0 = arith.constant 0 : i32
    %c0_i32_1 = arith.constant 0 : i32
    return %c0_i32, %c0_i32_0 : i32, i32
  }
  func.func @transform_11(%arg0: i32, %arg1: i32) -> (i32, i32) {
    %c0_i32 = arith.constant 0 : i32
    return %arg0, %arg1 : i32, i32
  }
}

</mosaic_0001>

<sc_bundles>
// kernel: kernel.5.cloned.1.call-start
scs
__scs_entry_jumppad:
0x0: {  	(pc) =	sbr.rel $0x88, $3  }
0x1: {  	(tag) =	ssettag $0x0;
	lr =	simm.s32 $0x1  }
0x2: {  	[smem:$0x3F96] =	sst lr;
	_ =	strace $0xD0000000  }
0x3: {  	_ = 	snop  }
0x4: {  	_ = 	snop  }
0x5: {  	_ = 	snop  }
0x6: {  	_ = 	snop  }
0x7: {  	_ = 	snop  }
__scs_overlays_trampoline_lowered:
0x8: {  	[smem:$0x3FA5] =	sst s0  }
0x9: {  	[smem:$0x3FA6] =	sst s1  }
0xa: {  	[smem:$0x3FA7] =	sst s2  }
0xb: {  	[smem:$0x3FA8] =	sst s3  }
0xc: {  	[smem:$0x3FA9] =	sst s4  }
0xd: {  	[smem:$0x3FAA] =	sst s5  }
0xe: {  	[smem:$0x3FAB] =	sst s6  }
0xf: {  	[smem:$0x3FAC] =	sst s7  }
0x10: {  	[smem:$0x3FAD] =	sst s8  }
0x11: {  	[smem:$0x3FAE] =	sst s9;
	s0 =	simm.s32 @!p0 $0x0  }
0x12: {  	s1 =	sld [smem:$0x3F94];
	s0 =	simm.s32 @p0 $0x1  }
0x13: {  	[smem:$0x3FAF] =	sst s0;
	s0 =	simm.s32 @!p1 $0x0  }
0x14: {  	s2 =	sld [smem:$0x3F93];
	s0 =	simm.s32 @p1 $0x1  }
0x15: {  	[smem:$0x3FB0] =	sst s0;
	s0 =	simm.s32 @!p2 $0x0  }
0x16: {  	s3 =	sld [smem:$0x3FDB];
	s0 =	simm.s32 @p2 $0x1  }
0x17: {  	s4 =	simm.s32 $0x1BF5;
	[smem:$0x3FB2] =	sst s0  }
0x18: {  	s0 =	sld [smem:$0x3F95];
	_ =	swait.ge [sflag:s4], $0x0  }
0x19: {  	s7 =	sld [smem:$0x3F96]  }
0x1a: {  	s8 =	sadd.s32 $0xFFFFE003, lr  }
0x1b: {  	s9 =	sadd.s32 $0xFFFFFEF7, lr;
	s5 =	simm.s32 $0xFFFFFFFF;
	p2 =	slt.u32 s8, $0xFFFFF086  }
0x1c: {  	p1 =	slt.u32 s9, $0xF7A;
	s5 =	simm.s32 @!p2 $0x0  }
0x1d: {  	s5 =	simm.s32 @p1 $0x1;
	p0 =	seq.s32 s7, s2  }
0x1e: {  	s7 =	smul.u32 @!p0 $0xF7A, s2;
	p2 =	seq.s32 @!p0 s5, $0x0  }
0x1f: {  	s9 =	smul.u32 $0xF7A, s1;
	s8 =	simm.s32 @!p0 $0x1BF5;
	p2 =	por !p2, p0  }
0x20: {  	[sflag:s8] =	ssyncset.s32 @!p0 $0xFFFFF086;
	s6 =	sadd.s32 @!p0 s3, s7;
	s7 =	simm.s32 @!p0 $0x108  }
0x21: {  	s3 =	sadd.s32 s3, s9;
	s6 =	sadd.s32 @!p0 $0x88, s6;
	s7 =	simm.s32 @p2 $0x1082  }
0x22: {  	[simem:s7], [sflag:s8] =	dma.local @!p0 [hbm:s6], $0xF7A  }
0x23: {  	s9 =	sor.u32 $0xD0000000, s2;
	s6 =	simm.s32 $0x108;
	_ =	swait.ge @!p0 [sflag:s8], $0x0  }
0x24: {  	s3 =	sadd.s32 $0x88, s3;
	s6 =	simm.s32 @!p1 $0x1082;
	[sflag:s4] =	ssyncset.s32 $0xFFFFF086  }
0x25: {  	[simem:s6], [sflag:s4] =	dma.local [hbm:s3], $0xF7A  }
0x26: {  	[smem:$0x3F96] =	sst s1;
	(tag) =	ssettag s2;
	_ =	strace s9  }
0x27: {  	s1 =	sld [smem:$0x3FA6]  }
0x28: {  	s2 =	sld [smem:$0x3FA7]  }
0x29: {  	s4 =	sld [smem:$0x3FA9]  }
0x2a: {  	p0 =	seq.s32 s5, $0x0;
	s5 =	sld [smem:$0x3FAA]  }
0x2b: {  	s6 =	sld [smem:$0x3FAB]  }
0x2c: {  	s7 =	sld [smem:$0x3FAC]  }
0x2d: {  	s3 =	simm.s32 $0x108;
	s8 =	sld [smem:$0x3FAD]  }
0x2e: {  	s3 =	simm.s32 @!p0 $0x1082;
	s9 =	sld [smem:$0x3FAE]  }
0x2f: {  	lr =	sadd.s32 s0, s3;
	s0 =	sld [smem:$0x3FA5]  }
0x30: {  	s3 =	sld [smem:$0x3FA8]  }
0x31: {  	[smem:$0x3FB1] =	sst s10  }
0x32: {  	s10 =	sld [smem:$0x3FAF];
	_ =	sdelay $0x3  }
0x33: {  	p0 =	seq.s32 s10, $0x1;
	s10 =	sld [smem:$0x3FB1];
	_ =	sdelay $0x3  }
0x34: {  	[smem:$0x3FB1] =	sst s10  }
0x35: {  	s10 =	sld [smem:$0x3FB0];
	_ =	sdelay $0x3  }
0x36: {  	p1 =	seq.s32 s10, $0x1;
	s10 =	sld [smem:$0x3FB1];
	_ =	sdelay $0x3  }
0x37: {  	[smem:$0x3FB1] =	sst s10  }
0x38: {  	s10 =	sld [smem:$0x3FB2]  }
0x39: {  	_ = 	snop;
	(pc) =	sbr.ind lr, $3  }
0x3a: {  	_ = 	snop  }
0x3b: {  	_ = 	snop  }
0x3c: {  	p2 =	seq.s32 s10, $0x1;
	s10 =	sld [smem:$0x3FB1]  }
0x3d: {  	_ =	shalt  }
0x3e: {  	_ =	shalt  }
0x3f: {  	_ =	shalt  }
0x40: {  	_ =	shalt  }
0x41: {  	_ =	shalt  }
0x42: {  	_ =	shalt  }
0x43: {  	_ =	shalt  }
0x44: {  	_ =	shalt  }
0x45: {  	_ =	shalt  }
0x46: {  	_ =	shalt  }
0x47: {  	_ =	shalt  }
0x48: {  	_ =	shalt  }
0x49: {  	_ =	shalt  }
0x4a: {  	_ =	shalt  }
0x4b: {  	_ =	shalt  }
0x4c: {  	_ =	shalt  }
0x4d: {  	_ =	shalt  }
0x4e: {  	_ =	shalt  }
0x4f: {  	_ =	shalt  }
0x50: {  	_ =	shalt  }
0x51: {  	_ =	shalt  }
0x52: {  	_ =	shalt  }
0x53: {  	_ =	shalt  }
0x54: {  	_ =	shalt  }
0x55: {  	_ =	shalt  }
0x56: {  	_ =	shalt  }
0x57: {  	_ =	shalt  }
0x58: {  	_ =	shalt  }
0x59: {  	_ =	shalt  }
0x5a: {  	_ =	shalt  }
0x5b: {  	_ =	shalt  }
0x5c: {  	_ =	shalt  }
0x5d: {  	_ =	shalt  }
0x5e: {  	_ =	shalt  }
0x5f: {  	_ =	shalt  }
0x60: {  	_ =	shalt  }
0x61: {  	_ =	shalt  }
0x62: {  	_ =	shalt  }
0x63: {  	_ =	shalt  }
0x64: {  	_ =	shalt  }
0x65: {  	_ =	shalt  }
0x66: {  	_ =	shalt  }
0x67: {  	_ =	shalt  }
0x68: {  	_ =	shalt  }
0x69: {  	_ =	shalt  }
0x6a: {  	_ =	shalt  }
0x6b: {  	_ =	shalt  }
0x6c: {  	_ =	shalt  }
0x6d: {  	_ =	shalt  }
0x6e: {  	_ =	shalt  }
0x6f: {  	_ =	shalt  }
0x70: {  	_ =	shalt  }
0x71: {  	_ =	shalt  }
0x72: {  	_ =	shalt  }
0x73: {  	_ =	shalt  }
0x74: {  	_ =	shalt  }
0x75: {  	_ =	shalt  }
0x76: {  	_ =	shalt  }
0x77: {  	_ =	shalt  }
0x78: {  	_ =	shalt  }
0x79: {  	_ =	shalt  }
0x7a: {  	_ =	shalt  }
0x7b: {  	_ =	shalt  }
0x7c: {  	_ =	shalt  }
0x7d: {  	_ =	shalt  }
0x7e: {  	_ =	shalt  }
0x7f: {  	_ =	shalt  }
0x80: {  	_ =	shalt  }
0x81: {  	_ =	shalt  }
0x82: {  	_ =	shalt  }
0x83: {  	_ =	shalt  }
0x84: {  	_ =	shalt  }
0x85: {  	_ =	shalt  }
0x86: {  	_ =	shalt  }
0x87: {  	_ =	shalt  }
.Lfunc_end0:
.L_simem_size_0:
called_computation_lowered:
.L_overlay_start_0:
0x88: {  	s2 =	sld [smem:$0x3FD9]  }
0x89: {  	s3 =	sld [smem:$0x3FFE];
	_ =	sdelay $0x1  }
0x8a: {  	s1 =	srdreg.scid  }
0x8b: {  	s0 =	sand.u32 $0x1, s1  }
0x8c: {  	s14 =	sshll.u32 s0, $0xA;
	s2 =	sadd.s32 s3, s2  }
0x8d: {  	s2 =	sadd.s32 s2, s14  }
0x8e: {  	[smem:$0x3FBD] =	sst s2  }
0x8f: {  	_ = 	snop  }
0x90: {  	s2 =	sld [smem:$0x3FD0];
	_ =	sdelay $0x2  }
0x91: {  	s15 =	simm.s32 $0xA;
	s4 =	simm.s32 $0x10  }
0x92: {  	[smem:s4], [sflag:s15] =	dma.local [hbm:s2], $0x1  }
0x93: {  	_ =	swait.eq [sflag:s15], $0x1  }
0x94: {  	[sflag:s15] =	ssyncset.done $0x0  }
0x95: {  	[sflag:s15] =	ssyncadd.s32 $0xFFFFFFFF  }
0x96: {  	s16 =	sld [smem:$0x11];
	(tm) =	ssettm $0x1  }
0x97: {  	s17 =	sld [smem:$0x3FFB];
	_ =	sdelay $0x3  }
0x98: {  	_ =	strace s17  }
0x99: {  	s3 =	sld [smem:$0x3FFC];
	_ =	sdelay $0x3  }
0x9a: {  	_ =	strace s3  }
0x9b: {  	s3 =	sld [smem:$0x3FFD];
	_ =	sdelay $0x3  }
0x9c: {  	_ =	strace s3  }
0x9d: {  	_ =	strace $0x8FFFFFFF  }
0x9e: {  	s18 =	sld [smem:$0x3FDB];
	_ =	sdelay $0x1  }
0x9f: {  	s19 =	simm.s32 $_scs_section_size  }
0xa0: {  	s5 =	simm.s32 $_size__tile_overlayer_lowered;
	s6 =	simm.s32 $_tile_overlayer_lowered  }
0xa1: {  	s22 =	simm.s32 $0x1BFF;
	s21 =	sshll.u32 s6, $0x1;
	s3 =	sadd.s32 s19, s18  }
0xa2: {  	s7 =	simm.s32 $0x0;
	s20 =	sshll.u32 s5, $0x1;
	s5 =	sadd.s32 s21, s3  }
0xa3: {  	[timem:s7], [sflag:s22] =	dma.local [hbm:s5], s20  }
0xa4: {  	_ =	swait.ge [sflag:s22], s20  }
0xa5: {  	s4 =	ssub.s32 $0x0, s20;
	[sflag:s22] =	ssyncset.done $0x0  }
0xa6: {  	[sflag:s22] =	ssyncadd.s32 s4;
	_ =	sdelay $0x1  }
0xa7: {  	s23 =	simm.s32 $0x1B8B  }
0xa8: {  	_ =	swait.ge [sflag:s23], $0x1  }
0xa9: {  	[sflag:s23] =	ssyncset.done $0x0  }
0xaa: {  	s25 =	simm.s32 $0x1B8E;
	s24 =	sld [smem:$0x3FFE];
	[sflag:s23] =	ssyncadd.s32 $0xFFFFFFFF  }
0xab: {  	s26 =	simm.s32 $execute0_lowered;
	[smem:$0x3FD2] =	sst s25  }
0xac: {  	s5 =	sshll.u32 s26, $0x1;
	_ =	strace $0x80000046;
	[dreg:$0x1] =	wrdreg $0xFFFFFFFF  }
0xad: {  	s28 =	simm.s32 $_size_execute0_lowered;
	s3 =	sadd.s32 s3, s5;
	[dreg:$0x0] =	wrdreg $0x0  }
0xae: {  	s5 =	sshll.u32 s28, $0x1;
	[dreg:$0x2] =	wrdreg s3  }
0xaf: {  	[dreg:$0x3] =	wrdreg s5  }
0xb0: {  	[dreg:$0x4] =	wrdreg $0xC0  }
0xb1: {  	_ =	task [dreg:s7], $0x5FFFF  }
0xb2: {  	[dreg:$0x1] =	wrdreg $0xFFFFFFFF  }
0xb3: {  	[dreg:$0x0] =	wrdreg $0x60  }
0xb4: {  	[dreg:$0x2] =	wrdreg s24  }
0xb5: {  	[dreg:$0x3] =	wrdreg s16  }
0xb6: {  	[dreg:$0x4] =	wrdreg $0x9  }
0xb7: {  	_ =	task.clear_ibuf [dreg:s7], $0x5FFFF;
	_ =	strace $0x90000046  }
0xb8: {  	s29 =	simm.s32 $0x9;
	_ =	strace $0x80000048  }
0xb9: {  	_ =	swait.ge [sflag:s29], $0x1  }
0xba: {  	[sflag:s29] =	ssyncadd.s32 $0xFFFFFFFF  }
0xbb: {  	_ =	strace $0x90000048  }
0xbc: {  	_ =	sfence  }
0xbd: {  	s30 =	sld [smem:$0x0];
	_ =	sdelay $0x2  }
0xbe: {  	s31 =	sshll.u32 s1, $0xD;
	s1 =	sshrl.u32 s1, $0x2  }
0xbf: {  	s3 =	sand.u32 $0x4000, s31;
	s1 =	sadd.s32 s1, s30  }
0xc0: {  	s0 =	sor.u32 s3, s0;
	s1 =	sshll.u32 s1, $0x11  }
0xc1: {  	s0 =	sor.u32 s1, s0  }
0xc2: {  	s0 =	sadd.s32 $0x8F2B, s0  }
0xc3: {  	[sflag:s0] =	ssyncadd.remote.s32 $0x1  }
0xc4: {  	_ =	sfence.sel $0xFFFF  }
0xc5: {  	[dreg:$0x0] =	wrdreg $0xFFFFFFFF;
	(pc) =	sbr.abs _section_cstart, $3  }
0xc6: {  	[dreg:$0x1] =	wrdreg $0xFFFFFFFF  }
0xc7: {  	_ =	task.clear_ibuf [dreg:s7], $0x2FFFF;
	_ =	strace $0x9FFFFFFF  }
0xc8: {  	(tm) =	ssettm $0x7FFFFFFF  }
0xc9: {  	_ =	shalt  }
tec
execute0_lowered:
.L_overlay_start_1:
0x0: {  	(tag) =	ssettag $0x1  }
0x1: {  	s3 =	rddreg [dreg:$0x0]  }
0x2: {  	s10 =	rddreg [dreg:$0x1]  }
0x3: {  	s0 =	rddreg [dreg:$0x2];
	s2 =	simm.s32 $0x0;
	s4 =	srdreg.scid  }
0x4: {  	s1 =	stileid.u32;
	[smem:$0x7FF] =	sst s2  }
0x5: {  	s8 =	sand.u32 $0x1, s4;
	s21 =	sshll.u32 s1, $0x1;
	s12 =	sshll.u32 s1, $0xA  }
0x6: {  	s29 =	sshll.u32 s1, $0x6;
	_ =	strace $0x80000047;
	s13 =	sor.u32 s8, s21  }
0x7: {  	s22 =	ssub.s32 $0x2, s8;
	s11 =	sshll.u32 s8, $0x9;
	s30 =	sshll.u32 s8, $0x5  }
0x8: {  	s5 =	sshll.u32 s13, $0xC;
	s6 =	sshrl.u32 s22, $0x1;
	s7 =	sshll.u32 s13, $0x9  }
0x9: {  	s24 =	sshll.u32 s13, $0x5;
	s25 =	sxor.u32 $0x1F, s13;
	s11 =	sor.u32 s12, s11  }
0xa: {  	s31 =	sor.u32 s30, s29;
	s12 =	simm.s32 $0x8400;
	p0 =	seq.s32 s13, $0x1F  }
0xb: {  	s3 =	sadd.s32 s5, s3;
	s9 =	ssub.s32 s22, s6;
	s23 =	sxor.u32 $0x7FF0, s7  }
0xc: {  	s26 =	sshll.u32 s25, $0xA;
	s11 =	sxor.u32 $0x7FF0, s11;
	s4 =	smul.u32 s13, s23  }
.Ltmp0:
0xd: {  	s7 =	smax.u32 s25, $0x1;
	s3 =	sadd.s32 $0x1600, s3;
	(pc) =	sbr.rel .LBB2_1-.Ltmp0, $4  }
0xe: {  	s6 =	sadd.s32 $0x8400, s26;
	s11 =	smul.u32 s13, s11;
	s8 =	smax.u32 s9, $0x1  }
0xf: {  	s9 =	sor.u32 $0x1, s31;
	s13 =	simm.s32 $0x0;
	s14 =	sadd.s32 s26, s4  }
0x10: {  	s4 =	sxor.u32 $0x3FF, s24;
	s11 =	sshrl.u32 s11, $0x3;
	s28 =	sshrl.u32 s14, $0x3  }
0x11: {  	v0 =	vlaneseq.u32;
	s5 =	sadd.s32 s10, s28;
	s10 =	sadd.s32 s11, s10;
	s11 =	simm.s32 $0x1  }
.LBB2_8:
0x12: {  	[sflag:s11] =	ssyncadd.s32 $0xFFFFFC00  }
.LBB2_9:
0x13: {  	s13 =	sadd.s32 $0x1, s13  }
0x14: {  	p1 =	sne.s32 s13, s8  }
.Ltmp1:
0x15: {  	_ = 	snop;
	(pc) =	sbr.rel @!p1 .LBB2_10-.Ltmp1, $4  }
0x16: {  	[hbm4b:s5+s2] =	stream.linear.scatter [tilespmem:s6], [sflag:$0x1], $0x1F0, $0x38;
	[tilespmem:$0x10600] =	vst v63  }
0x17: {  	_ =	swait.ge [sflag:s11], $0x1F0  }
0x18: {  	[sflag:s11] =	ssyncset.done $0x0  }
0x19: {  	[sflag:s11] =	ssyncadd.s32 $0xFFFFFE10  }
.LBB2_1:
0x1a: {  	[tilespmem:s2], [sflag:$0x1] =	stream.linear.gather [hbm4b:s3+s2], $0x8000, $0x38;
	[tilespmem:$0x10600] =	vst v63  }
0x1b: {  	_ =	swait.ge [sflag:s11], $0x8000  }
0x1c: {  	s14 =	simm.s32 $0x0;
	[sflag:s11] =	ssyncset.done $0x0  }
0x1d: {  	s15 =	smov.u32 s9;
	s16 =	simm.s32 $0x0;
	[sflag:s11] =	ssyncadd.s32 $0xFFFF8000  }
.LBB2_2:
0x1e: {  	s17 =	sadd.s32 $0xFFFFFFFF, s16  }
0x1f: {  	s17 =	smul.u32 s16, s17;
	_ =	sdelay $0x1  }
0x20: {  	s18 =	sand.u32 $0x8000, s17  }
0x21: {  	s19 =	sadd.s32 $0x0, s15;
	s18 =	sshrl.u32 s18, $0xF  }
0x22: {  	v1 =	vadd.s32 s19, v0;
	s17 =	sadd.s32 s18, s17  }
0x23: {  	s17 =	sshll.u32 s17, $0x10  }
0x24: {  	s17 =	sshra.s32 s17, $0x11  }
0x25: {  	s17 =	ssub.s32 s14, s17  }
0x26: {  	s21 =	sadd.s32 $0x0, s17  }
0x27: {  	s20 =	sadd.s32 $0x10, s15;
	s19 =	simm.s32 $0x20;
	s18 =	simm.s32 $0x10;
	v1 =	vld.idx.msk [tilespmem:v1+s2+$0x0], $0xffff;
	v2 =	vadd.s32 s21, v0  }
.LBB2_3:
0x28: {  	p1 =	sne.s32 s19, $0x3F0;
	v3 =	vadd.s32 s20, v0;
	_ =	sdelay $0x1  }
.Ltmp2:
0x29: {  	(pc) =	sbr.rel @p1 .LBB2_3-.Ltmp2, $4  }
0x2a: {  	_ = 	snop  }
0x2b: {  	[tilespmem:v2+s12+$0x0] =	vst.idx.msk $0xffff, v1  }
0x2c: {  	s21 =	sadd.s32 s18, s17;
	s18 =	smov.u32 s19;
	v1 =	vld.idx.msk [tilespmem:v3+s2+$0x0], $0xffff  }
0x2d: {  	s19 =	sadd.s32 $0x10, s19;
	s20 =	sadd.s32 s18, s15;
	v2 =	vadd.s32 s21, v0  }
0x2e: {  	v3 =	vadd.s32 s20, v0;
	_ =	sdelay $0x3  }
0x2f: {  	s17 =	sadd.s32 s18, s17;
	s16 =	sadd.s32 $0x1, s16;
	[tilespmem:v2+s12+$0x0] =	vst.idx.msk $0xffff, v1  }
0x30: {  	p1 =	sne.s32 s16, $0x20;
	v2 =	vadd.s32 s17, v0;
	v1 =	vld.idx.msk [tilespmem:v3+s2+$0x0], $0xffff  }
.Ltmp3:
0x31: {  	_ = 	snop;
	(pc) =	sbr.rel @p1 .LBB2_2-.Ltmp3, $2  }
0x32: {  	_ =	sdelay $0x2  }
0x33: {  	s15 =	sadd.s32 $0x401, s15;
	s14 =	sadd.s32 s4, s14;
	[tilespmem:v2+s12+$0x0] =	vst.idx.msk $0xffff, v1  }
.Ltmp4:
0x34: {  	(pc) =	sbr.rel @p0 .LBB2_9-.Ltmp4, $2  }
0x35: {  	_ =	sdelay $0x2  }
0x36: {  	s14 =	simm.s32 $0x8400  }
0x37: {  	p1 =	sne.s32 s7, $0x1  }
.Ltmp5:
0x38: {  	_ = 	snop;
	(pc) =	sbr.rel @!p1 .LBB2_8-.Ltmp5, $4  }
0x39: {  	_ = 	snop  }
0x3a: {  	[hbm4b:s10+s2] =	stream.linear.scatter [tilespmem:s14], [sflag:$0x1], $0x400, $0x38;
	[tilespmem:$0x10600] =	vst v63  }
0x3b: {  	_ =	swait.ge [sflag:s11], $0x400  }
0x3c: {  	s15 =	sadd.s32 $0xFFFFFFFF, s7;
	s16 =	smov.u32 s10;
	[sflag:s11] =	ssyncset.done $0x0  }
.LBB2_7:
0x3d: {  	[sflag:s11] =	ssyncadd.s32 $0xFFFFFC00  }
0x3e: {  	s14 =	sadd.s32 $0x400, s14;
	s16 =	sadd.s32 $0x80, s16;
	p1 =	sne.s32 s15, $0x1  }
.Ltmp6:
0x3f: {  	s15 =	sadd.s32 $0xFFFFFFFF, s15;
	(pc) =	sbr.rel @p1 .LBB2_7-.Ltmp6, $4  }
0x40: {  	_ = 	snop  }
0x41: {  	[hbm4b:s16+s2] =	stream.linear.scatter [tilespmem:s14], [sflag:$0x1], $0x400, $0x38;
	[tilespmem:$0x10600] =	vst v63  }
0x42: {  	_ =	swait.ge [sflag:s11], $0x400  }
0x43: {  	[sflag:s11] =	ssyncset.done $0x0  }
.Ltmp7:
0x44: {  	_ = 	snop;
	(pc) =	sbr.rel .LBB2_8-.Ltmp7, $1  }
0x45: {  	_ =	sdelay $0x3  }
.LBB2_10:
0x46: {  	_ =	sfence.sel $0x180000  }
0x47: {  	[bflag:$0x0] =	sbarrier.arrive $0xFFFF  }
0x48: {  	p0 =	sne.s32 s1, $0x0;
	_ =	strace $0x90000047  }
0x49: {  	s0 =	sadd.s32 @!p0 $0x100000, s0;
	[bflag:$0x2] =	sbarrier.arrive $0xFFFF  }
0x4a: {  	[sflag:s0] =	ssyncadd.tile.s32 @!p0 $0x1;
	_ =	shalt  }
.Lfunc_end2:
_tile_overlayer_lowered:
.L_overlay_start_2:
0x4b: {  	(tag) =	ssettag $0x2  }
0x4c: {  	s0 =	rddreg [dreg:$0x0];
	s2 =	stileid.u32  }
0x4d: {  	s1 =	rddreg [dreg:$0x1];
	p0 =	sne.s32 s2, $0x0  }
0x4e: {  	s3 =	rddreg [dreg:$0x2];
	[bflag:$0x3] =	sbarrier.arrive $0xFFFF;
	s2 =	simm.s32 @!p0 $0x1C01  }
0x4f: {  	[timem:s3], [sflag:s2] =	dma.local @!p0 [hbm:s0], s1  }
0x50: {  	s0 =	simm.s32 @!p0 $0x1  }
0x51: {  	_ =	swait.ge @!p0 [sflag:s0], s1  }
0x52: {  	s1 =	ssub.s32 @!p0 $0x0, s1;
	[sflag:s0] =	ssyncset.done @!p0 $0x0  }
0x53: {  	[sflag:s0] =	ssyncadd.s32 @!p0 s1  }
0x54: {  	[bflag:$0x3] =	sbarrier.arrive $0xFFFF  }
0x55: {  	_ =	shalt  }

</sc_bundles>
